<compile_context>
chip_gen: v7x
topology: tpu7x:2x2x1
jax: 0.10.2.dev20260603
libtpu: 0.0.44.dev20260713+nightly
codegen_flags: <defaults>
</compile_context>

<pallas_src>
import jax
import jax.numpy as jnp
from jax import lax
from jax.experimental import pallas as pl
from jax.experimental.pallas import tpu as pltpu
from jax.experimental.pallas import tpu_sc as plsc

B = 16384
NH = 24
DH = 8
ND = 7
DD = 4
D = DH + DD
NC = 2
NS = 16
NW = NC * NS
BPW = B // NW
L = 16


def _emb_body(hour_hbm, dow_hbm, ht_hbm, dt_hbm, out_hbm,
              hour_v, dow_v, ht_v, dt_v, out_v, sem):
    wid = lax.axis_index("s") * NC + lax.axis_index("c")
    base = wid * BPW
    copies = [
        pltpu.async_copy(ht_hbm, ht_v, sem),
        pltpu.async_copy(dt_hbm, dt_v, sem),
        pltpu.async_copy(hour_hbm.at[pl.ds(base, BPW)], hour_v, sem),
        pltpu.async_copy(dow_hbm.at[pl.ds(base, BPW)], dow_v, sem),
    ]
    for c in copies:
        c.wait()
    cvec = [jnp.full((L,), c, jnp.int32) for c in range(DH)]

    @plsc.parallel_loop(0, BPW // L, unroll=2)
    def _group(g):
        sl = pl.ds(g * L, L)
        hv = hour_v[sl]
        dv = dow_v[sl]
        vals = [plsc.load_gather(ht_v, [cvec[c], hv]) for c in range(DH)]
        vals += [plsc.load_gather(dt_v, [cvec[c], dv]) for c in range(DD)]
        for c in range(D):
            out_v[c, sl] = vals[c]
    pltpu.sync_copy(out_v, out_hbm.at[:, pl.ds(base, BPW)])


@jax.jit
def _lookup(hour, dow, ht_t, dt_t):
    mesh = plsc.VectorSubcoreMesh(core_axis_name="c", subcore_axis_name="s",
                                  num_cores=NC)
    f = pl.kernel(
        _emb_body,
        out_type=jax.ShapeDtypeStruct((D, B), jnp.float32),
        mesh=mesh,
        compiler_params=pltpu.CompilerParams(
            needs_layout_passes=False, skip_device_barrier=True),
        scratch_types=[
            pltpu.VMEM((BPW,), jnp.int32),
            pltpu.VMEM((BPW,), jnp.int32),
            pltpu.VMEM((DH, NH), jnp.float32),
            pltpu.VMEM((DD, ND), jnp.float32),
            pltpu.VMEM((D, BPW), jnp.float32),
            pltpu.SemaphoreType.DMA,
        ],
    )
    return f(hour, dow, ht_t, dt_t)


def kernel(hour, dow, dom, hour_table, dow_table):
    del dom
    out_t = _lookup(hour.astype(jnp.int32), dow.astype(jnp.int32),
                    hour_table.T, dow_table.T)
    return out_t.T

# --- scband reference (transcript-rebuilt; emitter-appended) ---
"""Pipeline reference for scband-time-embeddings-11123965297043 (READ-ONLY COPY).

The authoritative reference and input builder live on the scoring server;
editing this copy changes nothing except your own understanding.
"""

import jax, jax.numpy as jnp
import numpy as np

B = 16384

def setup_inputs(seed: int = 0) -> dict:
    key = jax.random.key(seed)
    k1, k2, k3, k4, k5 = jax.random.split(key, 5)
    hour = jax.random.randint(k1, (B,), 0, 24, dtype=jnp.int64 if jax.config.jax_enable_x64 else jnp.int32)
    dow = jax.random.randint(k2, (B,), 0, 7, dtype=jnp.int64 if jax.config.jax_enable_x64 else jnp.int32)
    dom = jax.random.randint(k3, (B,), 0, 31, dtype=jnp.int64 if jax.config.jax_enable_x64 else jnp.int32)
    hour_table = jax.random.normal(k4, (24, 8), dtype=jnp.float32)
    dow_table = jax.random.normal(k5, (7, 4), dtype=jnp.float32)
    return {"hour": hour, "dow": dow, "dom": dom, "hour_table": hour_table, "dow_table": dow_table}

def reference(hour, dow, dom, hour_table, dow_table):
    h = jnp.take(hour_table, hour, axis=0)
    d = jnp.take(dow_table, dow, axis=0)
    return jnp.concatenate([h, d], axis=1)

if __name__ == "__main__":
    import jax
    _d = setup_inputs()
    print(jax.jit(kernel)(*tuple(_d.values())))

</pallas_src>

<mosaic_0001>
#map = affine_map<(d0, d1) -> (0)>
#map1 = affine_map<(d0, d1) -> (0, 0)>
module attributes {stable_mosaic.version = 14 : i64} {
  func.func @_emb_body(%arg0: i32, %arg1: i32, %arg2: memref<16384xi32, #tpu.memory_space<hbm>>, %arg3: memref<16384xi32, #tpu.memory_space<hbm>>, %arg4: memref<8x24xf32, #tpu.memory_space<hbm>>, %arg5: memref<4x7xf32, #tpu.memory_space<hbm>>, %arg6: memref<12x16384xf32, #tpu.memory_space<hbm>>, %arg7: memref<512xi32, #tpu.memory_space<vmem>>, %arg8: memref<512xi32, #tpu.memory_space<vmem>>, %arg9: memref<8x24xf32, #tpu.memory_space<vmem>>, %arg10: memref<4x7xf32, #tpu.memory_space<vmem>>, %arg11: memref<12x512xf32, #tpu.memory_space<vmem>>, %arg12: memref<!tpu.dma_semaphore, #tpu.memory_space<semaphore_mem>>) attributes {dimension_semantics = [#tpu.dimension_semantics<core_parallel>, #tpu.dimension_semantics<subcore_parallel>], iteration_bounds = array<i64: 2, 16>, scalar_prefetch = 0 : i64, scratch_operands = 6 : i64, tpu.core_type = #tpu.core_type<sc_vector_subcore>, window_params = [{transform_indices = #map}, {transform_indices = #map}, {transform_indices = #map1}, {transform_indices = #map1}, {transform_indices = #map1}]} {
    %mul3A = arith.constant 2 : i32
    %mul3A_0 = arith.muli %arg1, %mul3A : i32
    %add3A = arith.addi %mul3A_0, %arg0 : i32
    %mul3A_1 = arith.constant 512 : i32
    %mul3A_2 = arith.muli %add3A, %mul3A_1 : i32
    tpu.enqueue_dma source(%arg4 : memref<8x24xf32, #tpu.memory_space<hbm>>) target(%arg9 : memref<8x24xf32, #tpu.memory_space<vmem>>) target_semaphore(%arg12 : memref<!tpu.dma_semaphore, #tpu.memory_space<semaphore_mem>>)
    tpu.enqueue_dma source(%arg5 : memref<4x7xf32, #tpu.memory_space<hbm>>) target(%arg10 : memref<4x7xf32, #tpu.memory_space<vmem>>) target_semaphore(%arg12 : memref<!tpu.dma_semaphore, #tpu.memory_space<semaphore_mem>>)
    %dma_start3A = tpu.memref_slice %arg2[%mul3A_2] : memref<16384xi32, #tpu.memory_space<hbm>> -> memref<512xi32, #tpu.memory_space<hbm>>
    %dma_start3A_3 = tpu.memref_slice %arg2[%mul3A_2] : memref<16384xi32, #tpu.memory_space<hbm>> -> memref<512xi32, #tpu.memory_space<hbm>>
    tpu.enqueue_dma source(%dma_start3A_3 : memref<512xi32, #tpu.memory_space<hbm>>) target(%arg7 : memref<512xi32, #tpu.memory_space<vmem>>) target_semaphore(%arg12 : memref<!tpu.dma_semaphore, #tpu.memory_space<semaphore_mem>>)
    %dma_start3A_4 = tpu.memref_slice %arg3[%mul3A_2] : memref<16384xi32, #tpu.memory_space<hbm>> -> memref<512xi32, #tpu.memory_space<hbm>>
    %dma_start3A_5 = tpu.memref_slice %arg3[%mul3A_2] : memref<16384xi32, #tpu.memory_space<hbm>> -> memref<512xi32, #tpu.memory_space<hbm>>
    tpu.enqueue_dma source(%dma_start3A_5 : memref<512xi32, #tpu.memory_space<hbm>>) target(%arg8 : memref<512xi32, #tpu.memory_space<vmem>>) target_semaphore(%arg12 : memref<!tpu.dma_semaphore, #tpu.memory_space<semaphore_mem>>)
    tpu.wait_dma2 semaphore(%arg12 : memref<!tpu.dma_semaphore, #tpu.memory_space<semaphore_mem>>) src(%arg4 : memref<8x24xf32, #tpu.memory_space<hbm>>) dst(%arg9 : memref<8x24xf32, #tpu.memory_space<vmem>>)
    tpu.wait_dma2 semaphore(%arg12 : memref<!tpu.dma_semaphore, #tpu.memory_space<semaphore_mem>>) src(%arg5 : memref<4x7xf32, #tpu.memory_space<hbm>>) dst(%arg10 : memref<4x7xf32, #tpu.memory_space<vmem>>)
    %dma_wait3A = tpu.memref_slice %arg2[%mul3A_2] : memref<16384xi32, #tpu.memory_space<hbm>> -> memref<512xi32, #tpu.memory_space<hbm>>
    %dma_wait3A_6 = tpu.memref_slice %arg2[%mul3A_2] : memref<16384xi32, #tpu.memory_space<hbm>> -> memref<512xi32, #tpu.memory_space<hbm>>
    tpu.wait_dma2 semaphore(%arg12 : memref<!tpu.dma_semaphore, #tpu.memory_space<semaphore_mem>>) src(%dma_wait3A_6 : memref<512xi32, #tpu.memory_space<hbm>>) dst(%arg7 : memref<512xi32, #tpu.memory_space<vmem>>)
    %dma_wait3A_7 = tpu.memref_slice %arg3[%mul3A_2] : memref<16384xi32, #tpu.memory_space<hbm>> -> memref<512xi32, #tpu.memory_space<hbm>>
    %dma_wait3A_8 = tpu.memref_slice %arg3[%mul3A_2] : memref<16384xi32, #tpu.memory_space<hbm>> -> memref<512xi32, #tpu.memory_space<hbm>>
    tpu.wait_dma2 semaphore(%arg12 : memref<!tpu.dma_semaphore, #tpu.memory_space<semaphore_mem>>) src(%dma_wait3A_8 : memref<512xi32, #tpu.memory_space<hbm>>) dst(%arg8 : memref<512xi32, #tpu.memory_space<vmem>>)
    %broadcast_in_dim3A = arith.constant 0 : i32
    %broadcast_in_dim3A_9 = vector.broadcast %broadcast_in_dim3A : i32 to vector<16xi32>
    %broadcast_in_dim3A_10 = arith.constant 1 : i32
    %broadcast_in_dim3A_11 = vector.broadcast %broadcast_in_dim3A_10 : i32 to vector<16xi32>
    %broadcast_in_dim3A_12 = arith.constant 2 : i32
    %broadcast_in_dim3A_13 = vector.broadcast %broadcast_in_dim3A_12 : i32 to vector<16xi32>
    %broadcast_in_dim3A_14 = arith.constant 3 : i32
    %broadcast_in_dim3A_15 = vector.broadcast %broadcast_in_dim3A_14 : i32 to vector<16xi32>
    %broadcast_in_dim3A_16 = arith.constant 4 : i32
    %broadcast_in_dim3A_17 = vector.broadcast %broadcast_in_dim3A_16 : i32 to vector<16xi32>
    %broadcast_in_dim3A_18 = arith.constant 5 : i32
    %broadcast_in_dim3A_19 = vector.broadcast %broadcast_in_dim3A_18 : i32 to vector<16xi32>
    %broadcast_in_dim3A_20 = arith.constant 6 : i32
    %broadcast_in_dim3A_21 = vector.broadcast %broadcast_in_dim3A_20 : i32 to vector<16xi32>
    %broadcast_in_dim3A_22 = arith.constant 7 : i32
    %broadcast_in_dim3A_23 = vector.broadcast %broadcast_in_dim3A_22 : i32 to vector<16xi32>
    %parallel_loop3A = arith.constant 0 : i32
    %parallel_loop3A_24 = arith.constant 32 : i32
    %parallel_loop3A_25 = arith.constant 1 : i32
    scf.for %parallel_loop3A_26 = %parallel_loop3A to %parallel_loop3A_24 step %parallel_loop3A_25  : i32 {
      %parallel_loop3A_27 = arith.constant 16 : i32
      %parallel_loop3A_28 = arith.muli %parallel_loop3A_26, %parallel_loop3A_27 : i32
      %parallel_loop3A_29 = arith.index_cast %parallel_loop3A_28 : i32 to index
      %parallel_loop3A_30 = tpu.vector_load %arg7[%parallel_loop3A_29] {strides = array<i32>} : memref<512xi32, #tpu.memory_space<vmem>>, vector<16xi32>,
      %parallel_loop3A_31 = arith.index_cast %parallel_loop3A_28 : i32 to index
      %parallel_loop3A_32 = tpu.vector_load %arg8[%parallel_loop3A_31] {strides = array<i32>} : memref<512xi32, #tpu.memory_space<vmem>>, vector<16xi32>,
      %parallel_loop3A_33 = tpu.vector_load_idx %arg9[%broadcast_in_dim3A_9, %parallel_loop3A_30] : memref<8x24xf32, #tpu.memory_space<vmem>>[vector<16xi32>, vector<16xi32>], vector<16xf32>,
      %parallel_loop3A_34 = tpu.vector_load_idx %arg9[%broadcast_in_dim3A_11, %parallel_loop3A_30] : memref<8x24xf32, #tpu.memory_space<vmem>>[vector<16xi32>, vector<16xi32>], vector<16xf32>,
      %parallel_loop3A_35 = tpu.vector_load_idx %arg9[%broadcast_in_dim3A_13, %parallel_loop3A_30] : memref<8x24xf32, #tpu.memory_space<vmem>>[vector<16xi32>, vector<16xi32>], vector<16xf32>,
      %parallel_loop3A_36 = tpu.vector_load_idx %arg9[%broadcast_in_dim3A_15, %parallel_loop3A_30] : memref<8x24xf32, #tpu.memory_space<vmem>>[vector<16xi32>, vector<16xi32>], vector<16xf32>,
      %parallel_loop3A_37 = tpu.vector_load_idx %arg9[%broadcast_in_dim3A_17, %parallel_loop3A_30] : memref<8x24xf32, #tpu.memory_space<vmem>>[vector<16xi32>, vector<16xi32>], vector<16xf32>,
      %parallel_loop3A_38 = tpu.vector_load_idx %arg9[%broadcast_in_dim3A_19, %parallel_loop3A_30] : memref<8x24xf32, #tpu.memory_space<vmem>>[vector<16xi32>, vector<16xi32>], vector<16xf32>,
      %parallel_loop3A_39 = tpu.vector_load_idx %arg9[%broadcast_in_dim3A_21, %parallel_loop3A_30] : memref<8x24xf32, #tpu.memory_space<vmem>>[vector<16xi32>, vector<16xi32>], vector<16xf32>,
      %parallel_loop3A_40 = tpu.vector_load_idx %arg9[%broadcast_in_dim3A_23, %parallel_loop3A_30] : memref<8x24xf32, #tpu.memory_space<vmem>>[vector<16xi32>, vector<16xi32>], vector<16xf32>,
      %parallel_loop3A_41 = tpu.vector_load_idx %arg10[%broadcast_in_dim3A_9, %parallel_loop3A_32] : memref<4x7xf32, #tpu.memory_space<vmem>>[vector<16xi32>, vector<16xi32>], vector<16xf32>,
      %parallel_loop3A_42 = tpu.vector_load_idx %arg10[%broadcast_in_dim3A_11, %parallel_loop3A_32] : memref<4x7xf32, #tpu.memory_space<vmem>>[vector<16xi32>, vector<16xi32>], vector<16xf32>,
      %parallel_loop3A_43 = tpu.vector_load_idx %arg10[%broadcast_in_dim3A_13, %parallel_loop3A_32] : memref<4x7xf32, #tpu.memory_space<vmem>>[vector<16xi32>, vector<16xi32>], vector<16xf32>,
      %parallel_loop3A_44 = tpu.vector_load_idx %arg10[%broadcast_in_dim3A_15, %parallel_loop3A_32] : memref<4x7xf32, #tpu.memory_space<vmem>>[vector<16xi32>, vector<16xi32>], vector<16xf32>,
      %parallel_loop3A_45 = arith.constant 0 : i32
      %parallel_loop3A_46 = arith.index_cast %parallel_loop3A_45 : i32 to index
      %parallel_loop3A_47 = arith.index_cast %parallel_loop3A_28 : i32 to index
      %parallel_loop3A_48 = tpu.vector_load %arg11[%parallel_loop3A_46, %parallel_loop3A_47] {strides = array<i32>} : memref<12x512xf32, #tpu.memory_space<vmem>>, vector<16xf32>,
      tpu.vector_store %arg11[%parallel_loop3A_46, %parallel_loop3A_47], %parallel_loop3A_33 {strides = array<i32>} : memref<12x512xf32, #tpu.memory_space<vmem>>, vector<16xf32>,
      %parallel_loop3A_49 = arith.constant 1 : i32
      %parallel_loop3A_50 = arith.index_cast %parallel_loop3A_49 : i32 to index
      %parallel_loop3A_51 = arith.index_cast %parallel_loop3A_28 : i32 to index
      %parallel_loop3A_52 = tpu.vector_load %arg11[%parallel_loop3A_50, %parallel_loop3A_51] {strides = array<i32>} : memref<12x512xf32, #tpu.memory_space<vmem>>, vector<16xf32>,
      tpu.vector_store %arg11[%parallel_loop3A_50, %parallel_loop3A_51], %parallel_loop3A_34 {strides = array<i32>} : memref<12x512xf32, #tpu.memory_space<vmem>>, vector<16xf32>,
      %parallel_loop3A_53 = arith.constant 2 : i32
      %parallel_loop3A_54 = arith.index_cast %parallel_loop3A_53 : i32 to index
      %parallel_loop3A_55 = arith.index_cast %parallel_loop3A_28 : i32 to index
      %parallel_loop3A_56 = tpu.vector_load %arg11[%parallel_loop3A_54, %parallel_loop3A_55] {strides = array<i32>} : memref<12x512xf32, #tpu.memory_space<vmem>>, vector<16xf32>,
      tpu.vector_store %arg11[%parallel_loop3A_54, %parallel_loop3A_55], %parallel_loop3A_35 {strides = array<i32>} : memref<12x512xf32, #tpu.memory_space<vmem>>, vector<16xf32>,
      %parallel_loop3A_57 = arith.constant 3 : i32
      %parallel_loop3A_58 = arith.index_cast %parallel_loop3A_57 : i32 to index
      %parallel_loop3A_59 = arith.index_cast %parallel_loop3A_28 : i32 to index
      %parallel_loop3A_60 = tpu.vector_load %arg11[%parallel_loop3A_58, %parallel_loop3A_59] {strides = array<i32>} : memref<12x512xf32, #tpu.memory_space<vmem>>, vector<16xf32>,
      tpu.vector_store %arg11[%parallel_loop3A_58, %parallel_loop3A_59], %parallel_loop3A_36 {strides = array<i32>} : memref<12x512xf32, #tpu.memory_space<vmem>>, vector<16xf32>,
      %parallel_loop3A_61 = arith.constant 4 : i32
      %parallel_loop3A_62 = arith.index_cast %parallel_loop3A_61 : i32 to index
      %parallel_loop3A_63 = arith.index_cast %parallel_loop3A_28 : i32 to index
      %parallel_loop3A_64 = tpu.vector_load %arg11[%parallel_loop3A_62, %parallel_loop3A_63] {strides = array<i32>} : memref<12x512xf32, #tpu.memory_space<vmem>>, vector<16xf32>,
      tpu.vector_store %arg11[%parallel_loop3A_62, %parallel_loop3A_63], %parallel_loop3A_37 {strides = array<i32>} : memref<12x512xf32, #tpu.memory_space<vmem>>, vector<16xf32>,
      %parallel_loop3A_65 = arith.constant 5 : i32
      %parallel_loop3A_66 = arith.index_cast %parallel_loop3A_65 : i32 to index
      %parallel_loop3A_67 = arith.index_cast %parallel_loop3A_28 : i32 to index
      %parallel_loop3A_68 = tpu.vector_load %arg11[%parallel_loop3A_66, %parallel_loop3A_67] {strides = array<i32>} : memref<12x512xf32, #tpu.memory_space<vmem>>, vector<16xf32>,
      tpu.vector_store %arg11[%parallel_loop3A_66, %parallel_loop3A_67], %parallel_loop3A_38 {strides = array<i32>} : memref<12x512xf32, #tpu.memory_space<vmem>>, vector<16xf32>,
      %parallel_loop3A_69 = arith.constant 6 : i32
      %parallel_loop3A_70 = arith.index_cast %parallel_loop3A_69 : i32 to index
      %parallel_loop3A_71 = arith.index_cast %parallel_loop3A_28 : i32 to index
      %parallel_loop3A_72 = tpu.vector_load %arg11[%parallel_loop3A_70, %parallel_loop3A_71] {strides = array<i32>} : memref<12x512xf32, #tpu.memory_space<vmem>>, vector<16xf32>,
      tpu.vector_store %arg11[%parallel_loop3A_70, %parallel_loop3A_71], %parallel_loop3A_39 {strides = array<i32>} : memref<12x512xf32, #tpu.memory_space<vmem>>, vector<16xf32>,
      %parallel_loop3A_73 = arith.constant 7 : i32
      %parallel_loop3A_74 = arith.index_cast %parallel_loop3A_73 : i32 to index
      %parallel_loop3A_75 = arith.index_cast %parallel_loop3A_28 : i32 to index
      %parallel_loop3A_76 = tpu.vector_load %arg11[%parallel_loop3A_74, %parallel_loop3A_75] {strides = array<i32>} : memref<12x512xf32, #tpu.memory_space<vmem>>, vector<16xf32>,
      tpu.vector_store %arg11[%parallel_loop3A_74, %parallel_loop3A_75], %parallel_loop3A_40 {strides = array<i32>} : memref<12x512xf32, #tpu.memory_space<vmem>>, vector<16xf32>,
      %parallel_loop3A_77 = arith.constant 8 : i32
      %parallel_loop3A_78 = arith.index_cast %parallel_loop3A_77 : i32 to index
      %parallel_loop3A_79 = arith.index_cast %parallel_loop3A_28 : i32 to index
      %parallel_loop3A_80 = tpu.vector_load %arg11[%parallel_loop3A_78, %parallel_loop3A_79] {strides = array<i32>} : memref<12x512xf32, #tpu.memory_space<vmem>>, vector<16xf32>,
      tpu.vector_store %arg11[%parallel_loop3A_78, %parallel_loop3A_79], %parallel_loop3A_41 {strides = array<i32>} : memref<12x512xf32, #tpu.memory_space<vmem>>, vector<16xf32>,
      %parallel_loop3A_81 = arith.constant 9 : i32
      %parallel_loop3A_82 = arith.index_cast %parallel_loop3A_81 : i32 to index
      %parallel_loop3A_83 = arith.index_cast %parallel_loop3A_28 : i32 to index
      %parallel_loop3A_84 = tpu.vector_load %arg11[%parallel_loop3A_82, %parallel_loop3A_83] {strides = array<i32>} : memref<12x512xf32, #tpu.memory_space<vmem>>, vector<16xf32>,
      tpu.vector_store %arg11[%parallel_loop3A_82, %parallel_loop3A_83], %parallel_loop3A_42 {strides = array<i32>} : memref<12x512xf32, #tpu.memory_space<vmem>>, vector<16xf32>,
      %parallel_loop3A_85 = arith.constant 10 : i32
      %parallel_loop3A_86 = arith.index_cast %parallel_loop3A_85 : i32 to index
      %parallel_loop3A_87 = arith.index_cast %parallel_loop3A_28 : i32 to index
      %parallel_loop3A_88 = tpu.vector_load %arg11[%parallel_loop3A_86, %parallel_loop3A_87] {strides = array<i32>} : memref<12x512xf32, #tpu.memory_space<vmem>>, vector<16xf32>,
      tpu.vector_store %arg11[%parallel_loop3A_86, %parallel_loop3A_87], %parallel_loop3A_43 {strides = array<i32>} : memref<12x512xf32, #tpu.memory_space<vmem>>, vector<16xf32>,
      %parallel_loop3A_89 = arith.constant 11 : i32
      %parallel_loop3A_90 = arith.index_cast %parallel_loop3A_89 : i32 to index
      %parallel_loop3A_91 = arith.index_cast %parallel_loop3A_28 : i32 to index
      %parallel_loop3A_92 = tpu.vector_load %arg11[%parallel_loop3A_90, %parallel_loop3A_91] {strides = array<i32>} : memref<12x512xf32, #tpu.memory_space<vmem>>, vector<16xf32>,
      tpu.vector_store %arg11[%parallel_loop3A_90, %parallel_loop3A_91], %parallel_loop3A_44 {strides = array<i32>} : memref<12x512xf32, #tpu.memory_space<vmem>>, vector<16xf32>,
    } {sc.loop_unroll_factor = 2 : i64, sc.parallel_access}
    "tpu.region"() ({
      %run_scoped3A = tpu.sem_alloc : memref<!tpu.dma_semaphore, #tpu.memory_space<semaphore_mem>>
      %dma_start3A_26 = arith.constant 0 : i32
      %dma_start3A_27 = tpu.memref_slice %arg6[%dma_start3A_26, %mul3A_2] : memref<12x16384xf32, #tpu.memory_space<hbm>> -> memref<12x512xf32, #tpu.memory_space<hbm>>
      %dma_start3A_28 = arith.constant 0 : i32
      %dma_start3A_29 = tpu.memref_slice %arg6[%dma_start3A_28, %mul3A_2] : memref<12x16384xf32, #tpu.memory_space<hbm>> -> memref<12x512xf32, #tpu.memory_space<hbm>>
      tpu.enqueue_dma source(%arg11 : memref<12x512xf32, #tpu.memory_space<vmem>>) target(%dma_start3A_29 : memref<12x512xf32, #tpu.memory_space<hbm>>) target_semaphore(%run_scoped3A : memref<!tpu.dma_semaphore, #tpu.memory_space<semaphore_mem>>)
      %dma_wait3A_30 = arith.constant 0 : i32
      %dma_wait3A_31 = tpu.memref_slice %arg6[%dma_wait3A_30, %mul3A_2] : memref<12x16384xf32, #tpu.memory_space<hbm>> -> memref<12x512xf32, #tpu.memory_space<hbm>>
      %dma_wait3A_32 = arith.constant 0 : i32
      %dma_wait3A_33 = tpu.memref_slice %arg6[%dma_wait3A_32, %mul3A_2] : memref<12x16384xf32, #tpu.memory_space<hbm>> -> memref<12x512xf32, #tpu.memory_space<hbm>>
      tpu.wait_dma2 semaphore(%run_scoped3A : memref<!tpu.dma_semaphore, #tpu.memory_space<semaphore_mem>>) src(%arg11 : memref<12x512xf32, #tpu.memory_space<vmem>>) dst(%dma_wait3A_33 : memref<12x512xf32, #tpu.memory_space<hbm>>)
      tpu.yield
    }) : () -> ()
    return
  }
}

</mosaic_0001>

<sc_bundles>
// kernel: _lookup.3.cloned.1.call-start
scs
__scs_entry_jumppad:
0x0: {  	(pc) =	sbr.rel $0x88, $3  }
0x1: {  	(tag) =	ssettag $0x0;
	lr =	simm.s32 $0x1  }
0x2: {  	[smem:$0x3F9D] =	sst lr;
	_ =	strace $0xD0000000  }
0x3: {  	_ = 	snop  }
0x4: {  	_ = 	snop  }
0x5: {  	_ = 	snop  }
0x6: {  	_ = 	snop  }
0x7: {  	_ = 	snop  }
__scs_overlays_trampoline_lowered:
0x8: {  	[smem:$0x3FAC] =	sst s0  }
0x9: {  	[smem:$0x3FAD] =	sst s1  }
0xa: {  	[smem:$0x3FAE] =	sst s2  }
0xb: {  	[smem:$0x3FAF] =	sst s3  }
0xc: {  	[smem:$0x3FB0] =	sst s4  }
0xd: {  	[smem:$0x3FB1] =	sst s5  }
0xe: {  	[smem:$0x3FB2] =	sst s6  }
0xf: {  	[smem:$0x3FB3] =	sst s7  }
0x10: {  	[smem:$0x3FB4] =	sst s8  }
0x11: {  	[smem:$0x3FB5] =	sst s9;
	s0 =	simm.s32 @!p0 $0x0  }
0x12: {  	s1 =	sld [smem:$0x3F9B];
	s0 =	simm.s32 @p0 $0x1  }
0x13: {  	[smem:$0x3FB6] =	sst s0;
	s0 =	simm.s32 @!p1 $0x0  }
0x14: {  	s2 =	sld [smem:$0x3F9A];
	s0 =	simm.s32 @p1 $0x1  }
0x15: {  	[smem:$0x3FB7] =	sst s0;
	s0 =	simm.s32 @!p2 $0x0  }
0x16: {  	s3 =	sld [smem:$0x3FDB];
	s0 =	simm.s32 @p2 $0x1  }
0x17: {  	s4 =	simm.s32 $0x1BF5;
	[smem:$0x3FB9] =	sst s0  }
0x18: {  	s0 =	sld [smem:$0x3F9C];
	_ =	swait.ge [sflag:s4], $0x0  }
0x19: {  	s7 =	sld [smem:$0x3F9D]  }
0x1a: {  	s8 =	sadd.s32 $0xFFFFE003, lr  }
0x1b: {  	s9 =	sadd.s32 $0xFFFFFEF7, lr;
	s5 =	simm.s32 $0xFFFFFFFF;
	p2 =	slt.u32 s8, $0xFFFFF086  }
0x1c: {  	p1 =	slt.u32 s9, $0xF7A;
	s5 =	simm.s32 @!p2 $0x0  }
0x1d: {  	s5 =	simm.s32 @p1 $0x1;
	p0 =	seq.s32 s7, s2  }
0x1e: {  	s7 =	smul.u32 @!p0 $0xF7A, s2;
	p2 =	seq.s32 @!p0 s5, $0x0  }
0x1f: {  	s9 =	smul.u32 $0xF7A, s1;
	s8 =	simm.s32 @!p0 $0x1BF5;
	p2 =	por !p2, p0  }
0x20: {  	[sflag:s8] =	ssyncset.s32 @!p0 $0xFFFFF086;
	s6 =	sadd.s32 @!p0 s3, s7;
	s7 =	simm.s32 @!p0 $0x108  }
0x21: {  	s3 =	sadd.s32 s3, s9;
	s6 =	sadd.s32 @!p0 $0x88, s6;
	s7 =	simm.s32 @p2 $0x1082  }
0x22: {  	[simem:s7], [sflag:s8] =	dma.local @!p0 [hbm:s6], $0xF7A  }
0x23: {  	s9 =	sor.u32 $0xD0000000, s2;
	s6 =	simm.s32 $0x108;
	_ =	swait.ge @!p0 [sflag:s8], $0x0  }
0x24: {  	s3 =	sadd.s32 $0x88, s3;
	s6 =	simm.s32 @!p1 $0x1082;
	[sflag:s4] =	ssyncset.s32 $0xFFFFF086  }
0x25: {  	[simem:s6], [sflag:s4] =	dma.local [hbm:s3], $0xF7A  }
0x26: {  	[smem:$0x3F9D] =	sst s1;
	(tag) =	ssettag s2;
	_ =	strace s9  }
0x27: {  	s1 =	sld [smem:$0x3FAD]  }
0x28: {  	s2 =	sld [smem:$0x3FAE]  }
0x29: {  	s4 =	sld [smem:$0x3FB0]  }
0x2a: {  	p0 =	seq.s32 s5, $0x0;
	s5 =	sld [smem:$0x3FB1]  }
0x2b: {  	s6 =	sld [smem:$0x3FB2]  }
0x2c: {  	s7 =	sld [smem:$0x3FB3]  }
0x2d: {  	s3 =	simm.s32 $0x108;
	s8 =	sld [smem:$0x3FB4]  }
0x2e: {  	s3 =	simm.s32 @!p0 $0x1082;
	s9 =	sld [smem:$0x3FB5]  }
0x2f: {  	lr =	sadd.s32 s0, s3;
	s0 =	sld [smem:$0x3FAC]  }
0x30: {  	s3 =	sld [smem:$0x3FAF]  }
0x31: {  	[smem:$0x3FB8] =	sst s10  }
0x32: {  	s10 =	sld [smem:$0x3FB6];
	_ =	sdelay $0x3  }
0x33: {  	p0 =	seq.s32 s10, $0x1;
	s10 =	sld [smem:$0x3FB8];
	_ =	sdelay $0x3  }
0x34: {  	[smem:$0x3FB8] =	sst s10  }
0x35: {  	s10 =	sld [smem:$0x3FB7];
	_ =	sdelay $0x3  }
0x36: {  	p1 =	seq.s32 s10, $0x1;
	s10 =	sld [smem:$0x3FB8];
	_ =	sdelay $0x3  }
0x37: {  	[smem:$0x3FB8] =	sst s10  }
0x38: {  	s10 =	sld [smem:$0x3FB9]  }
0x39: {  	_ = 	snop;
	(pc) =	sbr.ind lr, $3  }
0x3a: {  	_ = 	snop  }
0x3b: {  	_ = 	snop  }
0x3c: {  	p2 =	seq.s32 s10, $0x1;
	s10 =	sld [smem:$0x3FB8]  }
0x3d: {  	_ =	shalt  }
0x3e: {  	_ =	shalt  }
0x3f: {  	_ =	shalt  }
0x40: {  	_ =	shalt  }
0x41: {  	_ =	shalt  }
0x42: {  	_ =	shalt  }
0x43: {  	_ =	shalt  }
0x44: {  	_ =	shalt  }
0x45: {  	_ =	shalt  }
0x46: {  	_ =	shalt  }
0x47: {  	_ =	shalt  }
0x48: {  	_ =	shalt  }
0x49: {  	_ =	shalt  }
0x4a: {  	_ =	shalt  }
0x4b: {  	_ =	shalt  }
0x4c: {  	_ =	shalt  }
0x4d: {  	_ =	shalt  }
0x4e: {  	_ =	shalt  }
0x4f: {  	_ =	shalt  }
0x50: {  	_ =	shalt  }
0x51: {  	_ =	shalt  }
0x52: {  	_ =	shalt  }
0x53: {  	_ =	shalt  }
0x54: {  	_ =	shalt  }
0x55: {  	_ =	shalt  }
0x56: {  	_ =	shalt  }
0x57: {  	_ =	shalt  }
0x58: {  	_ =	shalt  }
0x59: {  	_ =	shalt  }
0x5a: {  	_ =	shalt  }
0x5b: {  	_ =	shalt  }
0x5c: {  	_ =	shalt  }
0x5d: {  	_ =	shalt  }
0x5e: {  	_ =	shalt  }
0x5f: {  	_ =	shalt  }
0x60: {  	_ =	shalt  }
0x61: {  	_ =	shalt  }
0x62: {  	_ =	shalt  }
0x63: {  	_ =	shalt  }
0x64: {  	_ =	shalt  }
0x65: {  	_ =	shalt  }
0x66: {  	_ =	shalt  }
0x67: {  	_ =	shalt  }
0x68: {  	_ =	shalt  }
0x69: {  	_ =	shalt  }
0x6a: {  	_ =	shalt  }
0x6b: {  	_ =	shalt  }
0x6c: {  	_ =	shalt  }
0x6d: {  	_ =	shalt  }
0x6e: {  	_ =	shalt  }
0x6f: {  	_ =	shalt  }
0x70: {  	_ =	shalt  }
0x71: {  	_ =	shalt  }
0x72: {  	_ =	shalt  }
0x73: {  	_ =	shalt  }
0x74: {  	_ =	shalt  }
0x75: {  	_ =	shalt  }
0x76: {  	_ =	shalt  }
0x77: {  	_ =	shalt  }
0x78: {  	_ =	shalt  }
0x79: {  	_ =	shalt  }
0x7a: {  	_ =	shalt  }
0x7b: {  	_ =	shalt  }
0x7c: {  	_ =	shalt  }
0x7d: {  	_ =	shalt  }
0x7e: {  	_ =	shalt  }
0x7f: {  	_ =	shalt  }
0x80: {  	_ =	shalt  }
0x81: {  	_ =	shalt  }
0x82: {  	_ =	shalt  }
0x83: {  	_ =	shalt  }
0x84: {  	_ =	shalt  }
0x85: {  	_ =	shalt  }
0x86: {  	_ =	shalt  }
0x87: {  	_ =	shalt  }
.Lfunc_end0:
.L_simem_size_0:
called_computation_lowered:
.L_overlay_start_0:
0x88: {  	s2 =	sld [smem:$0x3FD9]  }
0x89: {  	s3 =	sld [smem:$0x3FFE];
	_ =	sdelay $0x1  }
0x8a: {  	s1 =	srdreg.scid  }
0x8b: {  	s0 =	sand.u32 $0x1, s1  }
0x8c: {  	s18 =	sshll.u32 s0, $0xA;
	s2 =	sadd.s32 s3, s2  }
0x8d: {  	s2 =	sadd.s32 s2, s18  }
0x8e: {  	[smem:$0x3FC4] =	sst s2  }
0x8f: {  	_ = 	snop  }
0x90: {  	s2 =	sld [smem:$0x3FC9]  }
0x91: {  	s19 =	sld [smem:$0x3FC8]  }
0x92: {  	s4 =	sld [smem:$0x3FC7]  }
0x93: {  	s5 =	sld [smem:$0x3FC6]  }
0x94: {  	s6 =	sld [smem:$0x3FD0];
	(tm) =	ssettm $0x1  }
0x95: {  	s7 =	sld [smem:$0x3FFB];
	_ =	sdelay $0x3  }
0x96: {  	_ =	strace s7  }
0x97: {  	s7 =	sld [smem:$0x3FFC];
	_ =	sdelay $0x3  }
0x98: {  	_ =	strace s7  }
0x99: {  	s7 =	sld [smem:$0x3FFD];
	_ =	sdelay $0x3  }
0x9a: {  	_ =	strace s7  }
0x9b: {  	_ =	strace $0x8FFFFFFF  }
0x9c: {  	s20 =	sld [smem:$0x3FDB];
	_ =	sdelay $0x1  }
0x9d: {  	s8 =	simm.s32 $_scs_section_size  }
0x9e: {  	s9 =	simm.s32 $_size__tile_overlayer_lowered;
	s10 =	simm.s32 $_tile_overlayer_lowered  }
0x9f: {  	s23 =	simm.s32 $0x1BFF;
	s22 =	sshll.u32 s10, $0x1;
	s7 =	sadd.s32 s8, s20  }
0xa0: {  	s11 =	simm.s32 $0x0;
	s21 =	sshll.u32 s9, $0x1;
	s9 =	sadd.s32 s22, s7  }
0xa1: {  	[timem:s11], [sflag:s23] =	dma.local [hbm:s9], s21  }
0xa2: {  	_ =	swait.ge [sflag:s23], s21  }
0xa3: {  	s8 =	ssub.s32 $0x0, s21;
	[sflag:s23] =	ssyncset.done $0x0  }
0xa4: {  	[sflag:s23] =	ssyncadd.s32 s8;
	_ =	sdelay $0x1  }
0xa5: {  	s24 =	simm.s32 $0x1B8B  }
0xa6: {  	_ =	swait.ge [sflag:s24], $0x1  }
0xa7: {  	[sflag:s24] =	ssyncset.done $0x0  }
0xa8: {  	s25 =	simm.s32 $0x1B8E;
	[sflag:s24] =	ssyncadd.s32 $0xFFFFFFFF  }
0xa9: {  	s26 =	simm.s32 $execute0_lowered;
	[smem:$0x3FD2] =	sst s25  }
0xaa: {  	s8 =	sshll.u32 s26, $0x1;
	_ =	strace $0x80000046;
	[dreg:$0x1] =	wrdreg $0xFFFFFFFF  }
0xab: {  	s28 =	simm.s32 $_size_execute0_lowered;
	s7 =	sadd.s32 s7, s8;
	[dreg:$0x0] =	wrdreg $0x0  }
0xac: {  	s8 =	sshll.u32 s28, $0x1;
	[dreg:$0x2] =	wrdreg s7  }
0xad: {  	[dreg:$0x3] =	wrdreg s8  }
0xae: {  	[dreg:$0x4] =	wrdreg $0xC0  }
0xaf: {  	_ =	task [dreg:s11], $0x5FFFF  }
0xb0: {  	[dreg:$0x1] =	wrdreg $0xFFFFFFFF  }
0xb1: {  	[dreg:$0x0] =	wrdreg $0x60  }
0xb2: {  	[dreg:$0x2] =	wrdreg s2  }
0xb3: {  	[dreg:$0x3] =	wrdreg s19  }
0xb4: {  	[dreg:$0x4] =	wrdreg s4  }
0xb5: {  	[dreg:$0x5] =	wrdreg s5  }
0xb6: {  	[dreg:$0x6] =	wrdreg s6  }
0xb7: {  	[dreg:$0x7] =	wrdreg $0x9  }
0xb8: {  	_ =	task.clear_ibuf [dreg:s11], $0x8FFFF;
	_ =	strace $0x90000046  }
0xb9: {  	s29 =	simm.s32 $0x9;
	_ =	strace $0x80000048  }
0xba: {  	_ =	swait.ge [sflag:s29], $0x1  }
0xbb: {  	[sflag:s29] =	ssyncadd.s32 $0xFFFFFFFF  }
0xbc: {  	_ =	strace $0x90000048  }
0xbd: {  	_ =	sfence  }
0xbe: {  	s30 =	sld [smem:$0x0];
	_ =	sdelay $0x2  }
0xbf: {  	s31 =	sshll.u32 s1, $0xD;
	s1 =	sshrl.u32 s1, $0x2  }
0xc0: {  	s3 =	sand.u32 $0x4000, s31;
	s1 =	sadd.s32 s1, s30  }
0xc1: {  	s0 =	sor.u32 s3, s0;
	s1 =	sshll.u32 s1, $0x11  }
0xc2: {  	s0 =	sor.u32 s1, s0  }
0xc3: {  	s0 =	sadd.s32 $0x8F2B, s0  }
0xc4: {  	[sflag:s0] =	ssyncadd.remote.s32 $0x1  }
0xc5: {  	_ =	sfence.sel $0xFFFF  }
0xc6: {  	[dreg:$0x0] =	wrdreg $0xFFFFFFFF;
	(pc) =	sbr.abs _section_cstart, $3  }
0xc7: {  	[dreg:$0x1] =	wrdreg $0xFFFFFFFF  }
0xc8: {  	_ =	task.clear_ibuf [dreg:s11], $0x2FFFF;
	_ =	strace $0x9FFFFFFF  }
0xc9: {  	(tm) =	ssettm $0x7FFFFFFF  }
tec
execute0_lowered:
.L_overlay_start_1:
0x0: {  	(tag) =	ssettag $0x1  }
0x1: {  	s0 =	rddreg [dreg:$0x0]  }
0x2: {  	s1 =	rddreg [dreg:$0x1]  }
0x3: {  	s2 =	rddreg [dreg:$0x4];
	s3 =	srdreg.scid  }
0x4: {  	s6 =	simm.s32 $0x0;
	s5 =	stileid.u32;
	s3 =	sand.u32 $0x1, s3  }
0x5: {  	s5 =	sshll.u32 s5, $0xA;
	s4 =	ssub.s32 $0x2, s3;
	s3 =	sshll.u32 s3, $0x9  }
0x6: {  	[smem:$0x7FF] =	sst s6;
	s3 =	sor.u32 s3, s5  }
0x7: {  	_ =	strace $0x80000047;
	s5 =	sshrl.u32 s3, $0x3;
	s30 =	sadd.s32 s2, s3  }
0x8: {  	s28 =	sshrl.u32 s4, $0x1;
	s0 =	sadd.s32 s0, s5;
	[dreg:$0x10] =	wrdreg s30  }
0x9: {  	s4 =	ssub.s32 s4, s28;
	s29 =	sadd.s32 s1, s5;
	[dreg:$0xe] =	wrdreg s0  }
0xa: {  	s9 =	simm.s32 $0x400;
	s31 =	smax.u32 s4, $0x1;
	[dreg:$0xf] =	wrdreg s29  }
0xb: {  	s23 =	simm.s32 $0x800;
	s2 =	simm.s32 $0x0;
	[dreg:$0x11] =	wrdreg s31  }
.LBB2_1:
0xc: {  	[dreg:$0x12] =	wrdreg s2  }
0xd: {  	s0 =	rddreg [dreg:$0x2];
	s16 =	simm.s32 $0x0  }
0xe: {  	[tilespmem:s9], [sflag:$0x1] =	stream.linear.gather [hbm4b:s0+s16], $0x400, $0x38;
	[tilespmem:$0x2A00] =	vst v63  }
0xf: {  	s21 =	rddreg [dreg:$0x3];
	s19 =	simm.s32 $0x800  }
0x10: {  	[tilespmem:s19], [sflag:$0x1] =	stream.linear.gather [hbm4b:s21+s16], $0x200, $0x38;
	[tilespmem:$0x2A00] =	vst v63  }
0x11: {  	s22 =	rddreg [dreg:$0xe]  }
0x12: {  	[tilespmem:s16], [sflag:$0x1] =	stream.linear.gather [hbm4b:s22+s16], $0x200, $0x38;
	[tilespmem:$0x2A00] =	vst v63  }
0x13: {  	s1 =	simm.s32 $0x200;
	s24 =	rddreg [dreg:$0xf];
	s3 =	simm.s32 $0x1  }
0x14: {  	[tilespmem:s1], [sflag:$0x1] =	stream.linear.gather [hbm4b:s24+s16], $0x200, $0x38;
	[tilespmem:$0x2A00] =	vst v63  }
0x15: {  	_ =	swait.ge [sflag:s3], $0x400  }
0x16: {  	[sflag:s3] =	ssyncset.done $0x0  }
0x17: {  	[sflag:s3] =	ssyncadd.s32 $0xFFFFFC00  }
0x18: {  	_ =	swait.ge [sflag:s3], $0x200  }
0x19: {  	[sflag:s3] =	ssyncset.done $0x0  }
0x1a: {  	[sflag:s3] =	ssyncadd.s32 $0xFFFFFE00  }
0x1b: {  	_ =	swait.ge [sflag:s3], $0x200  }
0x1c: {  	[sflag:s3] =	ssyncset.done $0x0  }
0x1d: {  	[sflag:s3] =	ssyncadd.s32 $0xFFFFFE00  }
0x1e: {  	s0 =	sand.u32 $0x60, s16;
	_ =	swait.ge [sflag:s3], $0x200  }
0x1f: {  	s25 =	sand.u32 $0x180, s16;
	s4 =	sor.u32 $0x10, s0;
	[sflag:s3] =	ssyncset.done $0x0  }
0x20: {  	s2 =	sor.u32 s25, s4;
	[sflag:s3] =	ssyncadd.s32 $0xFFFFFE00  }
0x21: {  	v3 =	vld [tilespmem:s2+$0x0]  }
0x22: {  	v7 =	vld [tilespmem:s16+$0x0]  }
0x23: {  	v4 =	vld [tilespmem:s1+$0x0]  }
0x24: {  	s6 =	simm.s32 $0x20  }
0x25: {  	s20 =	sand.u32 $0x60, s6;
	v1 =	vld [tilespmem:s2+$0x200]  }
0x26: {  	s5 =	simm.s32 $0x220;
	s26 =	sand.u32 $0x180, s6;
	s21 =	sor.u32 $0x10, s20;
	v21 =	vld [tilespmem:s6+$0x0]  }
0x27: {  	s1 =	sor.u32 s26, s21;
	v27 =	vld [tilespmem:s5+$0x0];
	v0 =	vadd.s32 $0x380, v3  }
0x28: {  	v28 =	vld [tilespmem:s1+$0x200];
	v2 =	vadd.s32 $0x300, v3  }
0x29: {  	v5 =	vadd.s32 $0x80, v3;
	v8 =	vld.idx.msk [tilespmem:v3+s9+$0x0], $0xffff  }
0x2a: {  	v12 =	vld.idx.msk [tilespmem:v7+s9+$0x0], $0xffff  }
0x2b: {  	v6 =	vadd.s32 $0x100, v7;
	v16 =	vld.idx.msk [tilespmem:v4+s19+$0x0], $0xffff  }
0x2c: {  	v9 =	vadd.s32 $0x100, v3;
	v24 =	vld.idx.msk [tilespmem:v0+s9+$0x0], $0xffff  }
0x2d: {  	v10 =	vadd.s32 $0x180, v1;
	v14 =	vld.idx.msk [tilespmem:v2+s9+$0x0], $0xffff  }
0x2e: {  	v22 =	vadd.s32 $0x80, v4;
	v11 =	vld.idx.msk [tilespmem:v5+s9+$0x0], $0xffff  }
0x2f: {  	v2 =	vadd.s32 $0x180, v3;
	v0 =	vld.idx.msk [tilespmem:v1+s19+$0x0], $0xffff  }
0x30: {  	v5 =	vadd.s32 $0x280, v3;
	v15 =	vld.idx.msk [tilespmem:v6+s9+$0x0], $0xffff  }
0x31: {  	v13 =	vadd.s32 $0x100, v1;
	v9 =	vld.idx.msk [tilespmem:v9+s9+$0x0], $0xffff  }
0x32: {  	v6 =	vadd.s32 $0x80, v1;
	v1 =	vld.idx.msk [tilespmem:v10+s19+$0x0], $0xffff  }
0x33: {  	v20 =	vadd.s32 $0x180, v4;
	v30 =	vld.idx.msk [tilespmem:v22+s19+$0x0], $0xffff  }
0x34: {  	v10 =	vadd.s32 $0x80, v7;
	v17 =	vld.idx.msk [tilespmem:v2+s9+$0x0], $0xffff  }
0x35: {  	v3 =	vadd.s32 $0x200, v3;
	v19 =	vld.idx.msk [tilespmem:v5+s9+$0x0], $0xffff  }
0x36: {  	v2 =	vld.idx.msk [tilespmem:v13+s19+$0x0], $0xffff;
	v13 =	vadd.s32 $0x100, v4  }
0x37: {  	v5 =	vld.idx.msk [tilespmem:v6+s19+$0x0], $0xffff;
	v6 =	vadd.s32 $0x180, v7  }
0x38: {  	v4 =	vld.idx.msk [tilespmem:v20+s19+$0x0], $0xffff  }
0x39: {  	v23 =	vadd.s32 $0x280, v7;
	v20 =	vld.idx.msk [tilespmem:v10+s9+$0x0], $0xffff  }
0x3a: {  	s29 =	sand.u32 $0xC00, s16;
	v22 =	vld.idx.msk [tilespmem:v3+s9+$0x0], $0xffff  }
0x3b: {  	s17 =	sadd.s32 $0xA00, s29;
	v18 =	vadd.s32 $0x200, v7;
	v10 =	vld.idx.msk [tilespmem:v13+s19+$0x0], $0xffff  }
0x3c: {  	s8 =	sor.u32 s4, s17;
	v25 =	vadd.s32 $0x380, v7;
	v13 =	vld.idx.msk [tilespmem:v6+s9+$0x0], $0xffff  }
0x3d: {  	v7 =	vadd.s32 $0x300, v7;
	[tilespmem:s8+$0x0] =	vst v8;
	v6 =	vld [tilespmem:s1+$0x0]  }
0x3e: {  	[tilespmem:s8+$0x80] =	vst v11;
	v8 =	vld.idx.msk [tilespmem:v23+s9+$0x0], $0xffff  }
0x3f: {  	[tilespmem:s8+$0x100] =	vst v9  }
0x40: {  	v18 =	vld.idx.msk [tilespmem:v18+s9+$0x0], $0xffff;
	[tilespmem:s8+$0x280] =	vst v19  }
0x41: {  	s15 =	sor.u32 s0, s17;
	v23 =	vld.idx.msk [tilespmem:v25+s9+$0x0], $0xffff;
	[tilespmem:s8+$0x180] =	vst v17  }
0x42: {  	s31 =	simm.s32 $0x100;
	v25 =	vld.idx.msk [tilespmem:v7+s9+$0x0], $0xffff;
	[tilespmem:s15+$0x100] =	vst v15;
	v3 =	vadd.s32 $0x380, v6  }
0x43: {  	s11 =	sor.u32 s16, s16;
	s18 =	sadd.s32 $0x1A00, s29;
	s14 =	sadd.s32 $0x1B00, s29;
	v9 =	vld.idx.msk [tilespmem:v21+s9+$0x0], $0xffff;
	[tilespmem:s15+$0x280] =	vst v8;
	v19 =	vadd.s32 $0x300, v6  }
0x44: {  	s7 =	sor.u32 s0, s18;
	s13 =	sor.u32 s0, s14;
	s25 =	sand.u32 $0x3, s16;
	v8 =	vld.idx.msk [tilespmem:v27+s19+$0x0], $0xffff;
	[tilespmem:s8+$0x200] =	vst v22;
	v17 =	vadd.s32 $0x80, v6  }
0x45: {  	s22 =	sadd.s32 $0x1A80, s29;
	s24 =	sadd.s32 $0x1B80, s29;
	s29 =	sshll.u32 s25, $0x5;
	v22 =	vld.idx.msk [tilespmem:v28+s19+$0x0], $0xffff;
	[tilespmem:s15+$0x180] =	vst v13;
	v13 =	vadd.s32 $0x100, v21  }
0x46: {  	s10 =	sor.u32 s0, s22;
	s1 =	sor.u32 s4, s18;
	[tilespmem:s15+$0x200] =	vst v18;
	s18 =	sadd.s32 $0x0, s29;
	v18 =	vadd.s32 $0x100, v6;
	v11 =	vld.idx.msk [tilespmem:v6+s9+$0x0], $0xffff  }
0x47: {  	s12 =	sor.u32 s4, s22;
	s22 =	sor.u32 s31, s6;
	[tilespmem:s15+$0x0] =	vst v12;
	s6 =	sadd.s32 $0x10, s18;
	v3 =	vld.idx.msk [tilespmem:v3+s9+$0x0], $0xffff  }
0x48: {  	s2 =	sor.u32 s4, s14;
	s14 =	sand.u32 $0xC00, s31;
	[tilespmem:s15+$0x80] =	vst v20;
	s29 =	sor.u32 $0x300, s6;
	v7 =	vld.idx.msk [tilespmem:v19+s9+$0x0], $0xffff  }
0x49: {  	s5 =	sor.u32 s4, s24;
	s4 =	sadd.s32 $0x1A00, s14;
	s18 =	sor.u32 $0x300, s18;
	[tilespmem:s29+$0xA00] =	vst v14;
	v12 =	vadd.s32 $0x180, v6;
	v15 =	vld.idx.msk [tilespmem:v17+s9+$0x0], $0xffff  }
0x4a: {  	s3 =	sor.u32 s0, s24;
	s24 =	sadd.s32 $0x1A80, s14;
	s8 =	sor.u32 s21, s4;
	[tilespmem:s18+$0xA00] =	vst v25;
	v13 =	vld.idx.msk [tilespmem:v13+s9+$0x0], $0xffff  }
0x4b: {  	s16 =	sor.u32 s20, s4;
	s4 =	sor.u32 s21, s24;
	v26 =	vadd.s32 $0x280, v6;
	v17 =	vld.idx.msk [tilespmem:v18+s9+$0x0], $0xffff;
	[dreg:$0x8] =	wrdreg s8  }
0x4c: {  	s11 =	sor.u32 $0x380, s11;
	s17 =	sadd.s32 $0x1B00, s14;
	v29 =	vadd.s32 $0x180, v28;
	[dreg:$0x6] =	wrdreg s4  }
0x4d: {  	s25 =	sor.u32 s20, s17;
	s17 =	sor.u32 s21, s17;
	v31 =	vadd.s32 $0x100, v28;
	s15 =	sadd.s32 $0x1B80, s14;
	[tilespmem:s11+$0xA00] =	vst v23  }
0x4e: {  	s30 =	sor.u32 s20, s24;
	s24 =	sor.u32 s20, s15;
	v20 =	vld.idx.msk [tilespmem:v12+s9+$0x0], $0xffff;
	[dreg:$0x9] =	wrdreg s17  }
0x4f: {  	s0 =	simm.s32 $0x2;
	s26 =	simm.s32 $0x1;
	v14 =	vadd.s32 $0x300, v21;
	[dreg:$0x7] =	wrdreg s24  }
0x50: {  	s28 =	sadd.s32 $0xA00, s14;
	s29 =	sor.u32 $0x380, s6;
	s6 =	simm.s32 $0x240;
	v25 =	vadd.s32 $0x200, v21;
	v19 =	vadd.s32 $0x80, v21;
	v18 =	vadd.s32 $0x180, v21;
	v23 =	vld.idx.msk [tilespmem:v26+s9+$0x0], $0xffff;
	[tilespmem:s7+$0x0] =	vst v16  }
0x51: {  	s14 =	simm.s32 $0x100;
	s18 =	smov.u32 s21;
	s21 =	sor.u32 s21, s15;
	v12 =	vadd.s32 $0x380, v21;
	v16 =	vadd.s32 $0x280, v21;
	v21 =	vadd.s32 $0x80, v27;
	v26 =	vld.idx.msk [tilespmem:v29+s19+$0x0], $0xffff;
	[tilespmem:s29+$0xA00] =	vst v24  }
0x52: {  	s15 =	simm.s32 $0x40;
	s8 =	simm.s32 $0x40;
	s7 =	simm.s32 $0x2;
	v24 =	vadd.s32 $0x100, v27;
	v27 =	vadd.s32 $0x180, v27;
	v29 =	vadd.s32 $0x80, v28;
	v28 =	vld.idx.msk [tilespmem:v31+s19+$0x0], $0xffff;
	[tilespmem:s10+$0x0] =	vst v30  }
.LBB2_2:
0x53: {  	_ =	sdelay $0x1  }
0x54: {  	[dreg:$0xd] =	wrdreg s16;
	s10 =	sand.u32 $0x60, s8  }
0x55: {  	s31 =	sadd.s32 $0x100, s31;
	[tilespmem:s13+$0x0] =	vst v10;
	s11 =	sand.u32 $0x180, s8;
	s18 =	sor.u32 s18, s28  }
0x56: {  	v29 =	vld.idx.msk [tilespmem:v29+s23+$0x0], $0xffff;
	[tilespmem:s1+$0x0] =	vst v0;
	s19 =	sor.u32 $0x10, s10;
	s1 =	sand.u32 $0xC00, s31;
	s4 =	sor.u32 s31, s8  }
0x57: {  	v30 =	vld [tilespmem:s15+$0x0];
	[dreg:$0xa] =	wrdreg s4;
	s4 =	sor.u32 s11, s19;
	s17 =	sadd.s32 $0xA00, s1  }
0x58: {  	[tilespmem:s12+$0x0] =	vst v5;
	v31 =	vld.idx.msk [tilespmem:v19+s9+$0x0], $0xffff;
	s12 =	sadd.s32 $0x1A00, s1;
	s13 =	sadd.s32 $0x1A80, s1;
	s29 =	sadd.s32 $0x1B00, s1  }
0x59: {  	v10 =	vld.idx.msk [tilespmem:v24+s23+$0x0], $0xffff;
	[tilespmem:s2+$0x0] =	vst v2;
	s1 =	sadd.s32 $0x1B80, s1;
	s11 =	smov.u32 s22;
	s24 =	sor.u32 s10, s12  }
0x5a: {  	v0 =	vmov v22;
	v22 =	vld.idx.msk [tilespmem:v25+s9+$0x0], $0xffff;
	s2 =	sor.u32 s10, s13;
	[tilespmem:s5+$0x0] =	vst v1;
	s5 =	sor.u32 s10, s29;
	s16 =	sor.u32 s19, s12  }
0x5b: {  	v25 =	vld.idx.msk [tilespmem:v27+s23+$0x0], $0xffff;
	[tilespmem:s3+$0x0] =	vst v4;
	s3 =	sor.u32 s19, s29;
	s29 =	smov.u32 s30;
	s22 =	sor.u32 s19, s1  }
0x5c: {  	v19 =	vadd.s32 $0x200, v6;
	[dreg:$0xb] =	wrdreg s24;
	s24 =	smov.u32 s20;
	s20 =	sor.u32 s19, s13  }
0x5d: {  	v1 =	vmov v26;
	v26 =	vld.idx.msk [tilespmem:v18+s9+$0x0], $0xffff;
	[dreg:$0xc] =	wrdreg s29;
	s13 =	smov.u32 s25;
	s29 =	smov.u32 s5  }
0x5e: {  	v32 =	vld.idx.msk [tilespmem:v21+s23+$0x0], $0xffff;
	s5 =	rddreg [dreg:$0x8];
	s25 =	smov.u32 s19;
	s19 =	smov.u32 s16  }
0x5f: {  	s12 =	smov.u32 s21;
	s21 =	sor.u32 s10, s1;
	v33 =	vld [tilespmem:s6+$0x0];
	[dreg:$0x8] =	wrdreg s19  }
0x60: {  	v6 =	vld [tilespmem:s4+$0x0];
	s30 =	smov.u32 s2;
	s1 =	smov.u32 s5;
	s5 =	rddreg [dreg:$0x6]  }
0x61: {  	v2 =	vmov v28;
	s19 =	smov.u32 s20;
	s20 =	rddreg [dreg:$0x9];
	v28 =	vld.idx.msk [tilespmem:v19+s9+$0x0], $0xffff;
	[tilespmem:s18+$0x0] =	vst v11;
	s16 =	smov.u32 s5  }
0x62: {  	s2 =	smov.u32 s20;
	s20 =	rddreg [dreg:$0x7];
	s5 =	smov.u32 s21;
	v35 =	vld [tilespmem:s4+$0x200];
	[tilespmem:s18+$0x80] =	vst v15  }
0x63: {  	v36 =	vld.idx.msk [tilespmem:v16+s9+$0x0], $0xffff;
	[dreg:$0x7] =	wrdreg s5;
	[tilespmem:s18+$0x180] =	vst v20  }
0x64: {  	v37 =	vld.idx.msk [tilespmem:v12+s9+$0x0], $0xffff;
	s5 =	smov.u32 s12;
	s12 =	smov.u32 s16;
	s16 =	sor.u32 s24, s28;
	[tilespmem:s18+$0x100] =	vst v17  }
0x65: {  	v38 =	vld.idx.msk [tilespmem:v14+s9+$0x0], $0xffff;
	[tilespmem:s16+$0x180] =	vst v26  }
0x66: {  	v17 =	vld.idx.msk [tilespmem:v30+s9+$0x0], $0xffff;
	[tilespmem:s16+$0x100] =	vst v13  }
0x67: {  	v34 =	vadd.s32 $0x100, v30;
	[tilespmem:s16+$0x200] =	vst v22  }
0x68: {  	v21 =	vadd.s32 $0x300, v30;
	v15 =	vadd.s32 $0x380, v6;
	[tilespmem:s16+$0x0] =	vst v9  }
0x69: {  	v11 =	vadd.s32 $0x380, v30;
	v14 =	vmovc v21;
	v21 =	vadd.s32 $0x80, v33;
	v20 =	vadd.s32 $0x80, v6;
	[tilespmem:s16+$0x280] =	vst v36  }
0x6a: {  	[dreg:$0x6] =	wrdreg s19;
	[tilespmem:s18+$0x280] =	vst v23;
	v24 =	vadd.s32 $0x100, v33;
	v27 =	vadd.s32 $0x180, v33;
	v23 =	vadd.s32 $0x300, v6;
	v33 =	vld.idx.msk [tilespmem:v33+s23+$0x0], $0xffff  }
0x6b: {  	s19 =	smov.u32 s3;
	v12 =	vmov v11;
	s28 =	smov.u32 s17;
	s17 =	sand.u32 $0x3, s26;
	[tilespmem:s16+$0x80] =	vst v31;
	v11 =	vld.idx.msk [tilespmem:v6+s9+$0x0], $0xffff  }
0x6c: {  	s3 =	smov.u32 s20;
	s20 =	smov.u32 s10;
	s10 =	sshll.u32 s17, $0x5;
	v40 =	vadd.s32 $0x100, v6;
	v13 =	vld.idx.msk [tilespmem:v34+s9+$0x0], $0xffff  }
0x6d: {  	s10 =	sadd.s32 s10, s14;
	v26 =	vadd.s32 $0x180, v35;
	v39 =	vld.idx.msk [tilespmem:v15+s9+$0x0], $0xffff  }
0x6e: {  	s0 =	sadd.s32 $0x2, s0;
	[dreg:$0x9] =	wrdreg s19;
	s19 =	sadd.s32 $0x10, s10;
	v15 =	vld.idx.msk [tilespmem:v20+s9+$0x0], $0xffff;
	v20 =	vadd.s32 $0x180, v6  }
0x6f: {  	p0 =	slt.u32 s0, $0x1E;
	s8 =	sadd.s32 $0x20, s8;
	v19 =	vadd.s32 $0x80, v30;
	v18 =	vadd.s32 $0x180, v30;
	v41 =	vadd.s32 $0x280, v6;
	s24 =	sor.u32 $0x300, s19;
	v23 =	vld.idx.msk [tilespmem:v23+s9+$0x0], $0xffff;
	[tilespmem:s18+$0x200] =	vst v28  }
0x70: {  	v16 =	vadd.s32 $0x280, v30;
	v4 =	vmovc v25;
	v25 =	vadd.s32 $0x200, v30;
	s17 =	rddreg [dreg:$0xd];
	s10 =	sor.u32 $0x300, s10;
	v30 =	vadd.s32 $0x100, v35;
	s18 =	smov.u32 s25;
	v22 =	vld.idx.msk [tilespmem:v35+s23+$0x0], $0xffff;
	[tilespmem:s24+$0xA00] =	vst v7  }
.Ltmp0:
0x71: {  	[tilespmem:s10+$0xA00] =	vst v38;
	s25 =	smov.u32 s29;
	v9 =	vmov v17;
	s29 =	sor.u32 $0x380, s11;
	v17 =	vld.idx.msk [tilespmem:v40+s9+$0x0], $0xffff;
	(pc) =	sbr.rel @p0 .LBB2_2-.Ltmp0, $4  }
0x72: {  	s15 =	sadd.s32 $0x20, s15;
	s6 =	sadd.s32 $0x20, s6;
	s11 =	rddreg [dreg:$0xa];
	[tilespmem:s29+$0xA00] =	vst v37;
	v26 =	vld.idx.msk [tilespmem:v26+s23+$0x0], $0xffff  }
0x73: {  	s21 =	smov.u32 s22;
	s19 =	sor.u32 $0x380, s19;
	s24 =	rddreg [dreg:$0xb];
	[tilespmem:s17+$0x0] =	vst v8;
	v20 =	vld.idx.msk [tilespmem:v20+s9+$0x0], $0xffff  }
0x74: {  	s26 =	smov.u32 s7;
	s7 =	sadd.s32 $0x1, s7;
	s29 =	rddreg [dreg:$0xc];
	v7 =	vmov v23;
	v23 =	vld.idx.msk [tilespmem:v41+s9+$0x0], $0xffff;
	[tilespmem:s19+$0xA00] =	vst v3  }
0x75: {  	v5 =	vmovc v29;
	s14 =	smov.u32 s31;
	v29 =	vadd.s32 $0x80, v35;
	s22 =	smov.u32 s11;
	s16 =	smov.u32 s24;
	v8 =	vmov v33;
	[tilespmem:s29+$0x0] =	vst v32;
	v3 =	vmov v39;
	v28 =	vld.idx.msk [tilespmem:v30+s23+$0x0], $0xffff  }
0x76: {  	_ =	sdelay $0x3  }
0x77: {  	v56 =	vld.idx.msk [tilespmem:v25+s9+$0x0], $0xffff  }
0x78: {  	v58 =	vld.idx.msk [tilespmem:v19+s9+$0x0], $0xffff  }
0x79: {  	v61 =	vld.idx.msk [tilespmem:v18+s9+$0x0], $0xffff  }
0x7a: {  	v63 =	vld.idx.msk [tilespmem:v16+s9+$0x0], $0xffff  }
0x7b: {  	[tilespmem:s13+$0x0] =	vst v10;
	v12 =	vld.idx.msk [tilespmem:v12+s9+$0x0], $0xffff  }
0x7c: {  	s4 =	simm.s32 $0x800;
	[tilespmem:s1+$0x0] =	vst v0;
	v14 =	vld.idx.msk [tilespmem:v14+s9+$0x0], $0xffff  }
0x7d: {  	[tilespmem:s12+$0x0] =	vst v5;
	v57 =	vld.idx.msk [tilespmem:v27+s4+$0x0], $0xffff  }
0x7e: {  	v6 =	vadd.s32 $0x200, v6;
	s15 =	sor.u32 s20, s28;
	v59 =	vld.idx.msk [tilespmem:v24+s4+$0x0], $0xffff;
	[tilespmem:s3+$0x0] =	vst v4  }
0x7f: {  	v62 =	vld.idx.msk [tilespmem:v21+s4+$0x0], $0xffff;
	[tilespmem:s15+$0x100] =	vst v13  }
0x80: {  	[tilespmem:s15+$0x0] =	vst v9  }
0x81: {  	[tilespmem:s2+$0x0] =	vst v2  }
0x82: {  	s0 =	sor.u32 s18, s28;
	v55 =	vld.idx.msk [tilespmem:v29+s4+$0x0], $0xffff;
	[tilespmem:s5+$0x0] =	vst v1  }
0x83: {  	v60 =	vld.idx.msk [tilespmem:v6+s9+$0x0], $0xffff;
	[tilespmem:s0+$0x0] =	vst v11  }
0x84: {  	[tilespmem:s0+$0x80] =	vst v15  }
0x85: {  	[tilespmem:s0+$0x280] =	vst v23  }
0x86: {  	[tilespmem:s0+$0x180] =	vst v20  }
0x87: {  	[tilespmem:s0+$0x100] =	vst v17  }
0x88: {  	s17 =	sand.u32 $0x3, s26;
	[tilespmem:s15+$0x180] =	vst v61  }
0x89: {  	s2 =	sshll.u32 s17, $0x5;
	[tilespmem:s15+$0x200] =	vst v56  }
0x8a: {  	s2 =	sadd.s32 s2, s14;
	[tilespmem:s15+$0x280] =	vst v63  }
0x8b: {  	s20 =	sor.u32 $0x300, s2;
	[tilespmem:s15+$0x80] =	vst v58  }
0x8c: {  	s24 =	sor.u32 $0x380, s22;
	[tilespmem:s20+$0xA00] =	vst v14  }
0x8d: {  	[tilespmem:s24+$0xA00] =	vst v12  }
0x8e: {  	[tilespmem:s16+$0x0] =	vst v8  }
0x8f: {  	[tilespmem:s30+$0x0] =	vst v62  }
0x90: {  	s18 =	sadd.s32 $0x10, s2;
	[tilespmem:s0+$0x200] =	vst v60  }
0x91: {  	s19 =	sor.u32 $0x300, s18;
	[tilespmem:s25+$0x0] =	vst v59  }
0x92: {  	s0 =	sor.u32 $0x380, s18;
	[tilespmem:s19+$0xA00] =	vst v7  }
0x93: {  	[tilespmem:s0+$0xA00] =	vst v3  }
0x94: {  	s0 =	rddreg [dreg:$0x8]  }
0x95: {  	[tilespmem:s0+$0x0] =	vst v22  }
0x96: {  	s0 =	rddreg [dreg:$0x6]  }
0x97: {  	[tilespmem:s0+$0x0] =	vst v55  }
0x98: {  	s0 =	rddreg [dreg:$0x9]  }
0x99: {  	[tilespmem:s0+$0x0] =	vst v28  }
0x9a: {  	[tilespmem:s21+$0x0] =	vst v26  }
0x9b: {  	s0 =	rddreg [dreg:$0x7]  }
0x9c: {  	s26 =	simm.s32 $0x20000;
	s28 =	simm.s32 $0xA00;
	[tilespmem:s0+$0x0] =	vst v57  }
0x9d: {  	s29 =	simm.s32 $0x2;
	s25 =	simm.s32 $0x1000;
	s0 =	rddreg [dreg:$0x10]  }
0x9e: {  	[hbm4b:s0+s25] =	stream.strided.scatter [tilespmem:s28], [sflag:$0x2], $0x2000, s26, s25, $0x38;
	[tilespmem:$0x2A00] =	vst v63  }
0x9f: {  	_ =	swait.ge [sflag:s29], $0x2000  }
0xa0: {  	s30 =	rddreg [dreg:$0x12]  }
0xa1: {  	s31 =	rddreg [dreg:$0x11];
	s2 =	sadd.s32 $0x1, s30  }
0xa2: {  	p0 =	sne.s32 s2, s31  }
.Ltmp1:
0xa3: {  	_ = 	snop;
	(pc) =	sbr.rel @p0 .LBB2_1-.Ltmp1, $3  }
0xa4: {  	_ =	sdelay $0x1  }
0xa5: {  	[sflag:s29] =	ssyncset.done $0x0  }
0xa6: {  	[sflag:s29] =	ssyncadd.s32 $0xFFFFE000  }
0xa7: {  	_ =	sfence.sel $0x180000  }
0xa8: {  	[bflag:$0x0] =	sbarrier.arrive $0xFFFF  }
0xa9: {  	_ =	strace $0x90000047  }
0xaa: {  	s0 =	stileid.u32;
	[bflag:$0x2] =	sbarrier.arrive $0xFFFF  }
0xab: {  	p0 =	sne.s32 s0, $0x0;
	s0 =	rddreg [dreg:$0x5]  }
0xac: {  	s0 =	sadd.s32 @!p0 $0x100000, s0  }
0xad: {  	[sflag:s0] =	ssyncadd.tile.s32 @!p0 $0x1;
	_ =	shalt  }
.Lfunc_end2:
_tile_overlayer_lowered:
.L_overlay_start_2:
0xae: {  	(tag) =	ssettag $0x2  }
0xaf: {  	s0 =	rddreg [dreg:$0x0];
	s2 =	stileid.u32  }
0xb0: {  	s1 =	rddreg [dreg:$0x1];
	p0 =	sne.s32 s2, $0x0  }
0xb1: {  	s3 =	rddreg [dreg:$0x2];
	[bflag:$0x3] =	sbarrier.arrive $0xFFFF;
	s2 =	simm.s32 @!p0 $0x1C02  }
0xb2: {  	[timem:s3], [sflag:s2] =	dma.local @!p0 [hbm:s0], s1  }
0xb3: {  	s0 =	simm.s32 @!p0 $0x2  }
0xb4: {  	_ =	swait.ge @!p0 [sflag:s0], s1  }
0xb5: {  	s1 =	ssub.s32 @!p0 $0x0, s1;
	[sflag:s0] =	ssyncset.done @!p0 $0x0  }
0xb6: {  	[sflag:s0] =	ssyncadd.s32 @!p0 s1  }
0xb7: {  	[bflag:$0x3] =	sbarrier.arrive $0xFFFF  }
0xb8: {  	_ =	shalt  }

</sc_bundles>
